<compile_context>
chip_gen: v7x
topology: tpu7x:2x2x1
jax: 0.10.2.dev20260603
libtpu: 0.0.44.dev20260713+nightly
codegen_flags: <defaults>
</compile_context>

<pallas_src>
import functools

import jax
import jax.numpy as jnp
from jax import lax
from jax.experimental import pallas as pl
from jax.experimental.pallas import tpu as pltpu
from jax.experimental.pallas import tpu_sc as plsc

T = 2048
D = 1024
F = 512
E = 8
K = 2
P = T * K
BLK = 128
NPAD = P + E * BLK
NBLK = NPAD // BLK
NC = 2
NS = 16
NW = NC * NS
TW = T // NW
CHUNK = 32

_MESH = dict(core_axis_name="c", subcore_axis_name="s",
             num_cores=NC, num_subcores=NS)


def _sc_scatter_pairs(hidden, dst3):

    @functools.partial(
        pl.kernel,
        mesh=plsc.VectorSubcoreMesh(**_MESH),
        out_type=jax.ShapeDtypeStruct((NPAD, D), jnp.float32),
        scratch_types=[
            pltpu.VMEM((K, TW), jnp.int32),
            pltpu.VMEM((TW, D), jnp.float32),
            pltpu.SemaphoreType.DMA,
            pltpu.SemaphoreType.DMA,
        ],
    )
    def k(hidden_hbm, dst_hbm, out_hbm, idx_v, buf, s0, s1):
        wid = lax.axis_index("s") * NC + lax.axis_index("c")
        pltpu.sync_copy(dst_hbm.at[wid], idx_v)
        pltpu.sync_copy(hidden_hbm.at[pl.ds(wid * TW, TW)], buf)
        d0 = pltpu.async_copy(buf, out_hbm.at[idx_v.at[0]], s0)
        d1 = pltpu.async_copy(buf, out_hbm.at[idx_v.at[1]], s1)
        d0.wait()
        d1.wait()

    return k(hidden, dst3)


def _sc_gather(table, idx, n_rows):
    rows_per_w = n_rows // NW
    n_chunks = rows_per_w // CHUNK
    assert rows_per_w % CHUNK == 0

    @functools.partial(
        pl.kernel,
        mesh=plsc.VectorSubcoreMesh(**_MESH),
        out_type=jax.ShapeDtypeStruct((n_rows, D), jnp.float32),
        scratch_types=[
            pltpu.VMEM((rows_per_w,), jnp.int32),
            pltpu.VMEM((CHUNK, D), jnp.float32),
            pltpu.VMEM((CHUNK, D), jnp.float32),
            pltpu.SemaphoreType.DMA,
            pltpu.SemaphoreType.DMA,
            pltpu.SemaphoreType.DMA,
            pltpu.SemaphoreType.DMA,
        ],
    )
    def k(table_hbm, idx_hbm, out_hbm, idx_v, buf0, buf1, gs0, gs1, ss0, ss1):
        wid = lax.axis_index("s") * NC + lax.axis_index("c")
        base = wid * rows_per_w
        pltpu.sync_copy(idx_hbm.at[pl.ds(base, rows_per_w)], idx_v)
        bufs = (buf0, buf1)
        gsems = (gs0, gs1)
        ssems = (ss0, ss1)
        gd = [None] * n_chunks
        sd = [None] * n_chunks
        for c in range(n_chunks):
            b = c & 1
            if c >= 2:
                sd[c - 2].wait()
            gd[c] = pltpu.async_copy(
                table_hbm.at[idx_v.at[pl.ds(c * CHUNK, CHUNK)]],
                bufs[b], gsems[b])
            if c >= 1:
                pb = (c - 1) & 1
                gd[c - 1].wait()
                sd[c - 1] = pltpu.async_copy(
                    bufs[pb],
                    out_hbm.at[pl.ds(base + (c - 1) * CHUNK, CHUNK)],
                    ssems[pb])
        last = n_chunks - 1
        gd[last].wait()
        sd[last] = pltpu.async_copy(
            bufs[last & 1],
            out_hbm.at[pl.ds(base + last * CHUNK, CHUNK)],
            ssems[last & 1])
        if n_chunks >= 2:
            sd[last - 1].wait()
        sd[last].wait()

    return k(table, idx)


def _ffn_body(be_ref, act_ref, x_ref, wg_ref, wu_ref, wd_ref, y_ref):
    @pl.when(act_ref[pl.program_id(0)] > 0)
    def _():
        x = x_ref[...]
        a = jnp.dot(x, wg_ref[0], preferred_element_type=jnp.float32)
        u = jnp.dot(x, wu_ref[0], preferred_element_type=jnp.float32)
        h = a * jax.nn.sigmoid(a) * u
        y_ref[...] = jnp.dot(h, wd_ref[0], preferred_element_type=jnp.float32)


def _add_body(g_ref, w_ref, o_ref):
    w = w_ref[...]
    o_ref[...] = g_ref[0] * w[:, 0:1] + g_ref[1] * w[:, 1:2]


def kernel(hidden_states, topk_ids, topk_weights, Wg, Wu, Wd):
    i32 = jnp.int32
    ids = topk_ids.reshape(P).astype(i32)

    onehot = (ids[:, None] == jnp.arange(E, dtype=i32)[None, :]).astype(i32)
    cum = jnp.cumsum(onehot, axis=0)
    counts = cum[-1]
    rank = jnp.sum(onehot * cum, axis=1) - 1
    pc = ((counts + BLK - 1) // BLK) * BLK
    cum_pc = jnp.cumsum(pc).astype(i32)
    pad_start = jnp.concatenate([jnp.zeros(1, i32), cum_pc[:-1]])
    dst = pad_start[ids] + rank
    dst_tk = dst.reshape(T, K)
    dst3 = dst_tk.reshape(NW, TW, K).transpose(0, 2, 1)
    gidx = dst_tk.T.reshape(P)

    block_eid = jnp.searchsorted(cum_pc, jnp.arange(NBLK, dtype=i32) * BLK,
                                 side="right").astype(i32)
    active = (block_eid < E).astype(i32)
    last_e = jnp.max(jnp.where(counts > 0, jnp.arange(E, dtype=i32), 0))
    be = jnp.minimum(block_eid, last_e).astype(i32)

    xs = _sc_scatter_pairs(hidden_states, dst3)

    return xs[:T] + 0.0
    grid_spec = pltpu.PrefetchScalarGridSpec(
        num_scalar_prefetch=2,
        grid=(NBLK,),
        in_specs=[
            pl.BlockSpec((BLK, D), lambda b, be_r, act_r: (b, 0)),
            pl.BlockSpec((1, D, F), lambda b, be_r, act_r: (be_r[b], 0, 0)),
            pl.BlockSpec((1, D, F), lambda b, be_r, act_r: (be_r[b], 0, 0)),
            pl.BlockSpec((1, F, D), lambda b, be_r, act_r: (be_r[b], 0, 0)),
        ],
        out_specs=pl.BlockSpec((BLK, D), lambda b, be_r, act_r: (b, 0)),
    )
    yw = pl.pallas_call(
        _ffn_body,
        grid_spec=grid_spec,
        out_shape=jax.ShapeDtypeStruct((NPAD, D), jnp.float32),
    )(be, active, xs, Wg, Wu, Wd)

    g = _sc_gather(yw, gidx, P).reshape(2, T, D)

    TBLK = 512
    out = pl.pallas_call(
        _add_body,
        grid=(T // TBLK,),
        in_specs=[
            pl.BlockSpec((2, TBLK, D), lambda i: (0, i, 0)),
            pl.BlockSpec((TBLK, K), lambda i: (i, 0)),
        ],
        out_specs=pl.BlockSpec((TBLK, D), lambda i: (i, 0)),
        out_shape=jax.ShapeDtypeStruct((T, D), jnp.float32),
    )(g, topk_weights.astype(jnp.float32))
    return out

# --- scband reference (transcript-rebuilt; emitter-appended) ---
"""Pipeline reference for scband-transformers-mo-efor-causal-lm-76209899700514 (READ-ONLY COPY).

The authoritative reference and input builder live on the scoring server;
editing this copy changes nothing except your own understanding.
"""

import jax, jax.numpy as jnp
import numpy as np

T = 2048
D_MODEL = 1024
D_FF = 512
E = 8
TOP_K = 2


def setup_inputs(seed: int = 0) -> dict:
    key = jax.random.key(seed)
    k_hs, k_ids, k_w, k_wg, k_wu, k_wd = jax.random.split(key, 6)
    hidden_states = jax.random.normal(k_hs, (T, D_MODEL), dtype=jnp.float32)
    topk_ids = jax.random.randint(k_ids, (T, TOP_K), 0, E, dtype=jnp.int64)
    raw_w = jax.random.uniform(k_w, (T, TOP_K), dtype=jnp.float32)
    # router weights are normalized per token (as produced upstream by top-k softmax)
    topk_weights = raw_w / jnp.sum(raw_w, axis=-1, keepdims=True)
    Wg = jax.random.normal(k_wg, (E, D_MODEL, D_FF), dtype=jnp.float32) * 0.02
    Wu = jax.random.normal(k_wu, (E, D_MODEL, D_FF), dtype=jnp.float32) * 0.02
    Wd = jax.random.normal(k_wd, (E, D_FF, D_MODEL), dtype=jnp.float32) * 0.02
    return {
        "hidden_states": hidden_states,
        "topk_ids": topk_ids,
        "topk_weights": topk_weights,
        "Wg": Wg,
        "Wu": Wu,
        "Wd": Wd,
    }


def reference(hidden_states, topk_ids, topk_weights, Wg, Wu, Wd):
    # Faithful translation of _transformers_moe_forward -> self.experts(hidden_states, topk_output):
    # for each expert, combine SwiGLU expert FFN outputs weighted by router topk_weights
    # for tokens whose topk_ids select that expert (scatter-combine over experts).
    out = jnp.zeros_like(hidden_states)
    for e in range(E):
        # per-token gate weight for expert e (0 if token not routed to e)
        mask = (topk_ids == e).astype(hidden_states.dtype)  # [T, K]
        gate = jnp.sum(topk_weights * mask, axis=-1)  # [T]
        # SwiGLU expert FFN
        a = hidden_states @ Wg[e]
        b = hidden_states @ Wu[e]
        h = (jax.nn.silu(a) * b) @ Wd[e]
        out = out + gate[:, None] * h
    return out

if __name__ == "__main__":
    import jax
    _d = setup_inputs()
    print(jax.jit(kernel)(*tuple(_d.values())))

</pallas_src>

<mosaic_0001>
#map = affine_map<(d0, d1) -> (0, 0)>
#map1 = affine_map<(d0, d1) -> (0, 0, 0)>
module attributes {stable_mosaic.version = 14 : i64} {
  func.func @k(%arg0: i32, %arg1: i32, %arg2: memref<2048x1024xf32, #tpu.memory_space<hbm>>, %arg3: memref<32x2x64xi32, #tpu.memory_space<hbm>>, %arg4: memref<5120x1024xf32, #tpu.memory_space<hbm>>, %arg5: memref<2x64xi32, #tpu.memory_space<vmem>>, %arg6: memref<64x1024xf32, #tpu.memory_space<vmem>>, %arg7: memref<!tpu.dma_semaphore, #tpu.memory_space<semaphore_mem>>, %arg8: memref<!tpu.dma_semaphore, #tpu.memory_space<semaphore_mem>>) attributes {dimension_semantics = [#tpu.dimension_semantics<core_parallel>, #tpu.dimension_semantics<subcore_parallel>], iteration_bounds = array<i64: 2, 16>, scalar_prefetch = 0 : i64, scratch_operands = 4 : i64, tpu.core_type = #tpu.core_type<sc_vector_subcore>, window_params = [{transform_indices = #map}, {transform_indices = #map1}, {transform_indices = #map}]} {
    %mul3A = arith.constant 2 : i32
    %mul3A_0 = arith.muli %arg1, %mul3A : i32
    %add3A = arith.addi %mul3A_0, %arg0 : i32
    "tpu.region"() ({
      %run_scoped3A = tpu.sem_alloc : memref<!tpu.dma_semaphore, #tpu.memory_space<semaphore_mem>>
      %dma_start3A_29 = arith.constant 0 : i32
      %dma_start3A_30 = arith.constant 0 : i32
      %dma_start3A_31 = tpu.memref_slice %arg3[%add3A, %dma_start3A_29, %dma_start3A_30] : memref<32x2x64xi32, #tpu.memory_space<hbm>> -> memref<1x2x64xi32, #tpu.memory_space<hbm>>
      %dma_start3A_32 = tpu.memref_squeeze %dma_start3A_31 : memref<1x2x64xi32, #tpu.memory_space<hbm>> -> memref<2x64xi32, #tpu.memory_space<hbm>>
      %dma_start3A_33 = arith.constant 0 : i32
      %dma_start3A_34 = arith.constant 0 : i32
      %dma_start3A_35 = tpu.memref_slice %arg3[%add3A, %dma_start3A_33, %dma_start3A_34] : memref<32x2x64xi32, #tpu.memory_space<hbm>> -> memref<1x2x64xi32, #tpu.memory_space<hbm>>
      %dma_start3A_36 = tpu.memref_squeeze %dma_start3A_35 : memref<1x2x64xi32, #tpu.memory_space<hbm>> -> memref<2x64xi32, #tpu.memory_space<hbm>>
      tpu.enqueue_dma source(%dma_start3A_36 : memref<2x64xi32, #tpu.memory_space<hbm>>) target(%arg5 : memref<2x64xi32, #tpu.memory_space<vmem>>) target_semaphore(%run_scoped3A : memref<!tpu.dma_semaphore, #tpu.memory_space<semaphore_mem>>)
      %dma_wait3A_37 = arith.constant 0 : i32
      %dma_wait3A_38 = arith.constant 0 : i32
      %dma_wait3A_39 = tpu.memref_slice %arg3[%add3A, %dma_wait3A_37, %dma_wait3A_38] : memref<32x2x64xi32, #tpu.memory_space<hbm>> -> memref<1x2x64xi32, #tpu.memory_space<hbm>>
      %dma_wait3A_40 = tpu.memref_squeeze %dma_wait3A_39 : memref<1x2x64xi32, #tpu.memory_space<hbm>> -> memref<2x64xi32, #tpu.memory_space<hbm>>
      %dma_wait3A_41 = arith.constant 0 : i32
      %dma_wait3A_42 = arith.constant 0 : i32
      %dma_wait3A_43 = tpu.memref_slice %arg3[%add3A, %dma_wait3A_41, %dma_wait3A_42] : memref<32x2x64xi32, #tpu.memory_space<hbm>> -> memref<1x2x64xi32, #tpu.memory_space<hbm>>
      %dma_wait3A_44 = tpu.memref_squeeze %dma_wait3A_43 : memref<1x2x64xi32, #tpu.memory_space<hbm>> -> memref<2x64xi32, #tpu.memory_space<hbm>>
      tpu.wait_dma2 semaphore(%run_scoped3A : memref<!tpu.dma_semaphore, #tpu.memory_space<semaphore_mem>>) src(%dma_wait3A_44 : memref<2x64xi32, #tpu.memory_space<hbm>>) dst(%arg5 : memref<2x64xi32, #tpu.memory_space<vmem>>)
      tpu.yield
    }) : () -> ()
    %mul3A_1 = arith.constant 64 : i32
    %mul3A_2 = arith.muli %add3A, %mul3A_1 : i32
    "tpu.region"() ({
      %run_scoped3A = tpu.sem_alloc : memref<!tpu.dma_semaphore, #tpu.memory_space<semaphore_mem>>
      %dma_start3A_29 = arith.constant 0 : i32
      %dma_start3A_30 = tpu.memref_slice %arg2[%mul3A_2, %dma_start3A_29] : memref<2048x1024xf32, #tpu.memory_space<hbm>> -> memref<64x1024xf32, #tpu.memory_space<hbm>>
      %dma_start3A_31 = arith.constant 0 : i32
      %dma_start3A_32 = tpu.memref_slice %arg2[%mul3A_2, %dma_start3A_31] : memref<2048x1024xf32, #tpu.memory_space<hbm>> -> memref<64x1024xf32, #tpu.memory_space<hbm>>
      tpu.enqueue_dma source(%dma_start3A_32 : memref<64x1024xf32, #tpu.memory_space<hbm>>) target(%arg6 : memref<64x1024xf32, #tpu.memory_space<vmem>>) target_semaphore(%run_scoped3A : memref<!tpu.dma_semaphore, #tpu.memory_space<semaphore_mem>>)
      %dma_wait3A_33 = arith.constant 0 : i32
      %dma_wait3A_34 = tpu.memref_slice %arg2[%mul3A_2, %dma_wait3A_33] : memref<2048x1024xf32, #tpu.memory_space<hbm>> -> memref<64x1024xf32, #tpu.memory_space<hbm>>
      %dma_wait3A_35 = arith.constant 0 : i32
      %dma_wait3A_36 = tpu.memref_slice %arg2[%mul3A_2, %dma_wait3A_35] : memref<2048x1024xf32, #tpu.memory_space<hbm>> -> memref<64x1024xf32, #tpu.memory_space<hbm>>
      tpu.wait_dma2 semaphore(%run_scoped3A : memref<!tpu.dma_semaphore, #tpu.memory_space<semaphore_mem>>) src(%dma_wait3A_36 : memref<64x1024xf32, #tpu.memory_space<hbm>>) dst(%arg6 : memref<64x1024xf32, #tpu.memory_space<vmem>>)
      tpu.yield
    }) : () -> ()
    %dma_start3A = arith.constant 0 : i32
    %dma_start3A_3 = arith.constant 0 : i32
    %dma_start3A_4 = tpu.memref_slice %arg5[%dma_start3A, %dma_start3A_3] : memref<2x64xi32, #tpu.memory_space<vmem>> -> memref<1x64xi32, #tpu.memory_space<vmem>>
    %dma_start3A_5 = tpu.memref_squeeze %dma_start3A_4 : memref<1x64xi32, #tpu.memory_space<vmem>> -> memref<64xi32, #tpu.memory_space<vmem>>
    %dma_start3A_6 = arith.constant 0 : i32
    %dma_start3A_7 = arith.constant 0 : i32
    %dma_start3A_8 = tpu.memref_slice %arg4[%dma_start3A_6, %dma_start3A_7] : memref<5120x1024xf32, #tpu.memory_space<hbm>> -> memref<5120x1024xf32, #tpu.memory_space<hbm>>
    tpu.enqueue_indirect_dma source(%arg6 : memref<64x1024xf32, #tpu.memory_space<vmem>>) target(%dma_start3A_8 : memref<5120x1024xf32, #tpu.memory_space<hbm>>) offsets(%dma_start3A_5 : memref<64xi32, #tpu.memory_space<vmem>>) semaphore(%arg7 : memref<!tpu.dma_semaphore, #tpu.memory_space<semaphore_mem>>)
    %dma_start3A_9 = arith.constant 1 : i32
    %dma_start3A_10 = arith.constant 0 : i32
    %dma_start3A_11 = tpu.memref_slice %arg5[%dma_start3A_9, %dma_start3A_10] : memref<2x64xi32, #tpu.memory_space<vmem>> -> memref<1x64xi32, #tpu.memory_space<vmem>>
    %dma_start3A_12 = tpu.memref_squeeze %dma_start3A_11 : memref<1x64xi32, #tpu.memory_space<vmem>> -> memref<64xi32, #tpu.memory_space<vmem>>
    %dma_start3A_13 = arith.constant 0 : i32
    %dma_start3A_14 = arith.constant 0 : i32
    %dma_start3A_15 = tpu.memref_slice %arg4[%dma_start3A_13, %dma_start3A_14] : memref<5120x1024xf32, #tpu.memory_space<hbm>> -> memref<5120x1024xf32, #tpu.memory_space<hbm>>
    tpu.enqueue_indirect_dma source(%arg6 : memref<64x1024xf32, #tpu.memory_space<vmem>>) target(%dma_start3A_15 : memref<5120x1024xf32, #tpu.memory_space<hbm>>) offsets(%dma_start3A_12 : memref<64xi32, #tpu.memory_space<vmem>>) semaphore(%arg8 : memref<!tpu.dma_semaphore, #tpu.memory_space<semaphore_mem>>)
    %dma_wait3A = arith.constant 0 : i32
    %dma_wait3A_16 = arith.constant 0 : i32
    %dma_wait3A_17 = tpu.memref_slice %arg5[%dma_wait3A, %dma_wait3A_16] : memref<2x64xi32, #tpu.memory_space<vmem>> -> memref<1x64xi32, #tpu.memory_space<vmem>>
    %dma_wait3A_18 = tpu.memref_squeeze %dma_wait3A_17 : memref<1x64xi32, #tpu.memory_space<vmem>> -> memref<64xi32, #tpu.memory_space<vmem>>
    %dma_wait3A_19 = arith.constant 0 : i32
    %dma_wait3A_20 = arith.constant 0 : i32
    %dma_wait3A_21 = tpu.memref_slice %arg4[%dma_wait3A_19, %dma_wait3A_20] : memref<5120x1024xf32, #tpu.memory_space<hbm>> -> memref<5120x1024xf32, #tpu.memory_space<hbm>>
    tpu.wait_indirect_dma semaphore(%arg7 : memref<!tpu.dma_semaphore, #tpu.memory_space<semaphore_mem>>) src(%arg6 : memref<64x1024xf32, #tpu.memory_space<vmem>>) dst(%dma_wait3A_21 : memref<5120x1024xf32, #tpu.memory_space<hbm>>)
    %dma_wait3A_22 = arith.constant 1 : i32
    %dma_wait3A_23 = arith.constant 0 : i32
    %dma_wait3A_24 = tpu.memref_slice %arg5[%dma_wait3A_22, %dma_wait3A_23] : memref<2x64xi32, #tpu.memory_space<vmem>> -> memref<1x64xi32, #tpu.memory_space<vmem>>
    %dma_wait3A_25 = tpu.memref_squeeze %dma_wait3A_24 : memref<1x64xi32, #tpu.memory_space<vmem>> -> memref<64xi32, #tpu.memory_space<vmem>>
    %dma_wait3A_26 = arith.constant 0 : i32
    %dma_wait3A_27 = arith.constant 0 : i32
    %dma_wait3A_28 = tpu.memref_slice %arg4[%dma_wait3A_26, %dma_wait3A_27] : memref<5120x1024xf32, #tpu.memory_space<hbm>> -> memref<5120x1024xf32, #tpu.memory_space<hbm>>
    tpu.wait_indirect_dma semaphore(%arg8 : memref<!tpu.dma_semaphore, #tpu.memory_space<semaphore_mem>>) src(%arg6 : memref<64x1024xf32, #tpu.memory_space<vmem>>) dst(%dma_wait3A_28 : memref<5120x1024xf32, #tpu.memory_space<hbm>>)
    return
  }
}

</mosaic_0001>

<sc_bundles>
// kernel: kernel.3.cloned.1.call-start
scs
__scs_entry_jumppad:
0x0: {  	(pc) =	sbr.rel $0x88, $3  }
0x1: {  	(tag) =	ssettag $0x0;
	lr =	simm.s32 $0x1  }
0x2: {  	[smem:$0x3F9F] =	sst lr;
	_ =	strace $0xD0000000  }
0x3: {  	_ = 	snop  }
0x4: {  	_ = 	snop  }
0x5: {  	_ = 	snop  }
0x6: {  	_ = 	snop  }
0x7: {  	_ = 	snop  }
__scs_overlays_trampoline_lowered:
0x8: {  	[smem:$0x3FAE] =	sst s0  }
0x9: {  	[smem:$0x3FAF] =	sst s1  }
0xa: {  	[smem:$0x3FB0] =	sst s2  }
0xb: {  	[smem:$0x3FB1] =	sst s3  }
0xc: {  	[smem:$0x3FB2] =	sst s4  }
0xd: {  	[smem:$0x3FB3] =	sst s5  }
0xe: {  	[smem:$0x3FB4] =	sst s6  }
0xf: {  	[smem:$0x3FB5] =	sst s7  }
0x10: {  	[smem:$0x3FB6] =	sst s8  }
0x11: {  	[smem:$0x3FB7] =	sst s9;
	s0 =	simm.s32 @!p0 $0x0  }
0x12: {  	s1 =	sld [smem:$0x3F9D];
	s0 =	simm.s32 @p0 $0x1  }
0x13: {  	[smem:$0x3FB8] =	sst s0;
	s0 =	simm.s32 @!p1 $0x0  }
0x14: {  	s2 =	sld [smem:$0x3F9C];
	s0 =	simm.s32 @p1 $0x1  }
0x15: {  	[smem:$0x3FB9] =	sst s0;
	s0 =	simm.s32 @!p2 $0x0  }
0x16: {  	s3 =	sld [smem:$0x3FDB];
	s0 =	simm.s32 @p2 $0x1  }
0x17: {  	s4 =	simm.s32 $0x1BF5;
	[smem:$0x3FBB] =	sst s0  }
0x18: {  	s0 =	sld [smem:$0x3F9E];
	_ =	swait.ge [sflag:s4], $0x0  }
0x19: {  	s7 =	sld [smem:$0x3F9F]  }
0x1a: {  	s8 =	sadd.s32 $0xFFFFE003, lr  }
0x1b: {  	s9 =	sadd.s32 $0xFFFFFEF7, lr;
	s5 =	simm.s32 $0xFFFFFFFF;
	p2 =	slt.u32 s8, $0xFFFFF086  }
0x1c: {  	p1 =	slt.u32 s9, $0xF7A;
	s5 =	simm.s32 @!p2 $0x0  }
0x1d: {  	s5 =	simm.s32 @p1 $0x1;
	p0 =	seq.s32 s7, s2  }
0x1e: {  	s7 =	smul.u32 @!p0 $0xF7A, s2;
	p2 =	seq.s32 @!p0 s5, $0x0  }
0x1f: {  	s9 =	smul.u32 $0xF7A, s1;
	s8 =	simm.s32 @!p0 $0x1BF5;
	p2 =	por !p2, p0  }
0x20: {  	[sflag:s8] =	ssyncset.s32 @!p0 $0xFFFFF086;
	s6 =	sadd.s32 @!p0 s3, s7;
	s7 =	simm.s32 @!p0 $0x108  }
0x21: {  	s3 =	sadd.s32 s3, s9;
	s6 =	sadd.s32 @!p0 $0x88, s6;
	s7 =	simm.s32 @p2 $0x1082  }
0x22: {  	[simem:s7], [sflag:s8] =	dma.local @!p0 [hbm:s6], $0xF7A  }
0x23: {  	s9 =	sor.u32 $0xD0000000, s2;
	s6 =	simm.s32 $0x108;
	_ =	swait.ge @!p0 [sflag:s8], $0x0  }
0x24: {  	s3 =	sadd.s32 $0x88, s3;
	s6 =	simm.s32 @!p1 $0x1082;
	[sflag:s4] =	ssyncset.s32 $0xFFFFF086  }
0x25: {  	[simem:s6], [sflag:s4] =	dma.local [hbm:s3], $0xF7A  }
0x26: {  	[smem:$0x3F9F] =	sst s1;
	(tag) =	ssettag s2;
	_ =	strace s9  }
0x27: {  	s1 =	sld [smem:$0x3FAF]  }
0x28: {  	s2 =	sld [smem:$0x3FB0]  }
0x29: {  	s4 =	sld [smem:$0x3FB2]  }
0x2a: {  	p0 =	seq.s32 s5, $0x0;
	s5 =	sld [smem:$0x3FB3]  }
0x2b: {  	s6 =	sld [smem:$0x3FB4]  }
0x2c: {  	s7 =	sld [smem:$0x3FB5]  }
0x2d: {  	s3 =	simm.s32 $0x108;
	s8 =	sld [smem:$0x3FB6]  }
0x2e: {  	s3 =	simm.s32 @!p0 $0x1082;
	s9 =	sld [smem:$0x3FB7]  }
0x2f: {  	lr =	sadd.s32 s0, s3;
	s0 =	sld [smem:$0x3FAE]  }
0x30: {  	s3 =	sld [smem:$0x3FB1]  }
0x31: {  	[smem:$0x3FBA] =	sst s10  }
0x32: {  	s10 =	sld [smem:$0x3FB8];
	_ =	sdelay $0x3  }
0x33: {  	p0 =	seq.s32 s10, $0x1;
	s10 =	sld [smem:$0x3FBA];
	_ =	sdelay $0x3  }
0x34: {  	[smem:$0x3FBA] =	sst s10  }
0x35: {  	s10 =	sld [smem:$0x3FB9];
	_ =	sdelay $0x3  }
0x36: {  	p1 =	seq.s32 s10, $0x1;
	s10 =	sld [smem:$0x3FBA];
	_ =	sdelay $0x3  }
0x37: {  	[smem:$0x3FBA] =	sst s10  }
0x38: {  	s10 =	sld [smem:$0x3FBB]  }
0x39: {  	_ = 	snop;
	(pc) =	sbr.ind lr, $3  }
0x3a: {  	_ = 	snop  }
0x3b: {  	_ = 	snop  }
0x3c: {  	p2 =	seq.s32 s10, $0x1;
	s10 =	sld [smem:$0x3FBA]  }
0x3d: {  	_ =	shalt  }
0x3e: {  	_ =	shalt  }
0x3f: {  	_ =	shalt  }
0x40: {  	_ =	shalt  }
0x41: {  	_ =	shalt  }
0x42: {  	_ =	shalt  }
0x43: {  	_ =	shalt  }
0x44: {  	_ =	shalt  }
0x45: {  	_ =	shalt  }
0x46: {  	_ =	shalt  }
0x47: {  	_ =	shalt  }
0x48: {  	_ =	shalt  }
0x49: {  	_ =	shalt  }
0x4a: {  	_ =	shalt  }
0x4b: {  	_ =	shalt  }
0x4c: {  	_ =	shalt  }
0x4d: {  	_ =	shalt  }
0x4e: {  	_ =	shalt  }
0x4f: {  	_ =	shalt  }
0x50: {  	_ =	shalt  }
0x51: {  	_ =	shalt  }
0x52: {  	_ =	shalt  }
0x53: {  	_ =	shalt  }
0x54: {  	_ =	shalt  }
0x55: {  	_ =	shalt  }
0x56: {  	_ =	shalt  }
0x57: {  	_ =	shalt  }
0x58: {  	_ =	shalt  }
0x59: {  	_ =	shalt  }
0x5a: {  	_ =	shalt  }
0x5b: {  	_ =	shalt  }
0x5c: {  	_ =	shalt  }
0x5d: {  	_ =	shalt  }
0x5e: {  	_ =	shalt  }
0x5f: {  	_ =	shalt  }
0x60: {  	_ =	shalt  }
0x61: {  	_ =	shalt  }
0x62: {  	_ =	shalt  }
0x63: {  	_ =	shalt  }
0x64: {  	_ =	shalt  }
0x65: {  	_ =	shalt  }
0x66: {  	_ =	shalt  }
0x67: {  	_ =	shalt  }
0x68: {  	_ =	shalt  }
0x69: {  	_ =	shalt  }
0x6a: {  	_ =	shalt  }
0x6b: {  	_ =	shalt  }
0x6c: {  	_ =	shalt  }
0x6d: {  	_ =	shalt  }
0x6e: {  	_ =	shalt  }
0x6f: {  	_ =	shalt  }
0x70: {  	_ =	shalt  }
0x71: {  	_ =	shalt  }
0x72: {  	_ =	shalt  }
0x73: {  	_ =	shalt  }
0x74: {  	_ =	shalt  }
0x75: {  	_ =	shalt  }
0x76: {  	_ =	shalt  }
0x77: {  	_ =	shalt  }
0x78: {  	_ =	shalt  }
0x79: {  	_ =	shalt  }
0x7a: {  	_ =	shalt  }
0x7b: {  	_ =	shalt  }
0x7c: {  	_ =	shalt  }
0x7d: {  	_ =	shalt  }
0x7e: {  	_ =	shalt  }
0x7f: {  	_ =	shalt  }
0x80: {  	_ =	shalt  }
0x81: {  	_ =	shalt  }
0x82: {  	_ =	shalt  }
0x83: {  	_ =	shalt  }
0x84: {  	_ =	shalt  }
0x85: {  	_ =	shalt  }
0x86: {  	_ =	shalt  }
0x87: {  	_ =	shalt  }
.Lfunc_end0:
.L_simem_size_0:
called_computation_lowered:
.L_overlay_start_0:
0x88: {  	s2 =	sld [smem:$0x3FD9]  }
0x89: {  	s3 =	sld [smem:$0x3FFE];
	_ =	sdelay $0x1  }
0x8a: {  	s1 =	srdreg.scid  }
0x8b: {  	s0 =	sand.u32 $0x1, s1  }
0x8c: {  	s17 =	sshll.u32 s0, $0xA;
	s2 =	sadd.s32 s3, s2  }
0x8d: {  	s2 =	sadd.s32 s2, s17  }
0x8e: {  	[smem:$0x3FC6] =	sst s2  }
0x8f: {  	_ = 	snop  }
0x90: {  	s2 =	sld [smem:$0x3FC9]  }
0x91: {  	s18 =	sld [smem:$0x3FD0];
	(tm) =	ssettm $0x1  }
0x92: {  	s4 =	sld [smem:$0x3FFB];
	_ =	sdelay $0x3  }
0x93: {  	_ =	strace s4  }
0x94: {  	s4 =	sld [smem:$0x3FFC];
	_ =	sdelay $0x3  }
0x95: {  	_ =	strace s4  }
0x96: {  	s4 =	sld [smem:$0x3FFD];
	_ =	sdelay $0x3  }
0x97: {  	_ =	strace s4  }
0x98: {  	_ =	strace $0x8FFFFFFF  }
0x99: {  	s19 =	sld [smem:$0x3FDB];
	_ =	sdelay $0x1  }
0x9a: {  	s5 =	simm.s32 $_scs_section_size  }
0x9b: {  	s6 =	simm.s32 $_size__tile_overlayer_lowered;
	s7 =	simm.s32 $_tile_overlayer_lowered  }
0x9c: {  	s22 =	simm.s32 $0x1BFF;
	s21 =	sshll.u32 s7, $0x1;
	s4 =	sadd.s32 s5, s19  }
0x9d: {  	s8 =	simm.s32 $0x0;
	s20 =	sshll.u32 s6, $0x1;
	s6 =	sadd.s32 s21, s4  }
0x9e: {  	[timem:s8], [sflag:s22] =	dma.local [hbm:s6], s20  }
0x9f: {  	_ =	swait.ge [sflag:s22], s20  }
0xa0: {  	s5 =	ssub.s32 $0x0, s20;
	[sflag:s22] =	ssyncset.done $0x0  }
0xa1: {  	[sflag:s22] =	ssyncadd.s32 s5;
	_ =	sdelay $0x1  }
0xa2: {  	s23 =	simm.s32 $0x1B8B  }
0xa3: {  	_ =	swait.ge [sflag:s23], $0x1  }
0xa4: {  	[sflag:s23] =	ssyncset.done $0x0  }
0xa5: {  	s25 =	simm.s32 $0x1B8E;
	s24 =	sld [smem:$0x3FFE];
	[sflag:s23] =	ssyncadd.s32 $0xFFFFFFFF  }
0xa6: {  	s26 =	simm.s32 $execute0_lowered;
	[smem:$0x3FD2] =	sst s25  }
0xa7: {  	s6 =	sshll.u32 s26, $0x1;
	_ =	strace $0x80000046;
	[dreg:$0x1] =	wrdreg $0xFFFFFFFF  }
0xa8: {  	s28 =	simm.s32 $_size_execute0_lowered;
	s4 =	sadd.s32 s4, s6;
	[dreg:$0x0] =	wrdreg $0x0  }
0xa9: {  	s6 =	sshll.u32 s28, $0x1;
	[dreg:$0x2] =	wrdreg s4  }
0xaa: {  	[dreg:$0x3] =	wrdreg s6  }
0xab: {  	[dreg:$0x4] =	wrdreg $0xC0  }
0xac: {  	_ =	task [dreg:s8], $0x5FFFF  }
0xad: {  	[dreg:$0x1] =	wrdreg $0xFFFFFFFF  }
0xae: {  	[dreg:$0x0] =	wrdreg $0x60  }
0xaf: {  	[dreg:$0x2] =	wrdreg s2  }
0xb0: {  	[dreg:$0x3] =	wrdreg s18  }
0xb1: {  	[dreg:$0x4] =	wrdreg s24  }
0xb2: {  	[dreg:$0x5] =	wrdreg $0x9  }
0xb3: {  	_ =	task.clear_ibuf [dreg:s8], $0x6FFFF;
	_ =	strace $0x90000046  }
0xb4: {  	s29 =	simm.s32 $0x9;
	_ =	strace $0x80000048  }
0xb5: {  	_ =	swait.ge [sflag:s29], $0x1  }
0xb6: {  	[sflag:s29] =	ssyncadd.s32 $0xFFFFFFFF  }
0xb7: {  	_ =	strace $0x90000048  }
0xb8: {  	_ =	sfence  }
0xb9: {  	s30 =	sld [smem:$0x0];
	_ =	sdelay $0x2  }
0xba: {  	s31 =	sshll.u32 s1, $0xD;
	s1 =	sshrl.u32 s1, $0x2  }
0xbb: {  	s3 =	sand.u32 $0x4000, s31;
	s1 =	sadd.s32 s1, s30  }
0xbc: {  	s0 =	sor.u32 s3, s0;
	s1 =	sshll.u32 s1, $0x11  }
0xbd: {  	s0 =	sor.u32 s1, s0  }
0xbe: {  	s0 =	sadd.s32 $0x8F2B, s0  }
0xbf: {  	[sflag:s0] =	ssyncadd.remote.s32 $0x1  }
0xc0: {  	_ =	sfence.sel $0xFFFF  }
0xc1: {  	[dreg:$0x0] =	wrdreg $0xFFFFFFFF;
	(pc) =	sbr.abs _section_cstart, $3  }
0xc2: {  	[dreg:$0x1] =	wrdreg $0xFFFFFFFF  }
0xc3: {  	_ =	task.clear_ibuf [dreg:s8], $0x2FFFF;
	_ =	strace $0x9FFFFFFF  }
0xc4: {  	(tm) =	ssettm $0x7FFFFFFF  }
0xc5: {  	_ =	shalt  }
tec
execute0_lowered:
.L_overlay_start_1:
0x0: {  	(tag) =	ssettag $0x1  }
0x1: {  	s0 =	rddreg [dreg:$0x0]  }
0x2: {  	s1 =	rddreg [dreg:$0x1]  }
0x3: {  	s2 =	rddreg [dreg:$0x2]  }
0x4: {  	s4 =	srdreg.scid;
	s5 =	stileid.u32  }
0x5: {  	s3 =	simm.s32 $0x0;
	s18 =	simm.s32 $0x100;
	s21 =	simm.s32 $0x1100  }
0x6: {  	s22 =	simm.s32 $0x1900;
	s23 =	simm.s32 $0x2100;
	s24 =	simm.s32 $0x2900  }
0x7: {  	s28 =	simm.s32 $0x4100;
	s29 =	simm.s32 $0x4900;
	s30 =	simm.s32 $0x5100  }
0x8: {  	s31 =	simm.s32 $0x5900;
	s10 =	simm.s32 $0x7100;
	s11 =	simm.s32 $0x7900  }
0x9: {  	s12 =	simm.s32 $0x8100;
	s13 =	simm.s32 $0x8900;
	s14 =	simm.s32 $0x9100  }
0xa: {  	s15 =	simm.s32 $0x9900;
	s16 =	simm.s32 $0xA100;
	s17 =	simm.s32 $0xA900  }
0xb: {  	s9 =	simm.s32 $0xB100;
	s19 =	simm.s32 $0xB900;
	s8 =	simm.s32 $0xC100  }
0xc: {  	s4 =	sand.u32 $0x1, s4;
	s5 =	sshll.u32 s5, $0x1;
	[smem:$0x7FF] =	sst s3  }
0xd: {  	s5 =	sor.u32 s4, s5;
	_ =	strace $0x80000047;
	s4 =	ssub.s32 $0x2, s4  }
0xe: {  	s6 =	sshll.u32 s5, $0x5;
	s5 =	sshll.u32 s5, $0xD;
	s25 =	sshrl.u32 s4, $0x1  }
0xf: {  	s1 =	sadd.s32 s1, s6;
	s0 =	sadd.s32 s0, s5;
	s26 =	ssub.s32 s4, s25  }
0x10: {  	v2 =	vlaneseq.u32;
	s4 =	sadd.s32 $0x100, s2;
	s5 =	sadd.s32 $0x200, s2;
	[dreg:$0x4] =	wrdreg s1  }
0x11: {  	vm0 =	vmmov $0xffff;
	v1 =	vshrl.u32 v2, $0x3;
	s6 =	sadd.s32 $0x300, s2;
	s25 =	simm.s32 $0x3100;
	[dreg:$0x5] =	wrdreg s0  }
0x12: {  	v0 =	vand.u32 $0x7, v2;
	v2 =	vor.u32 $0x8, v2;
	v1 =	vmul.u32 $0x8, v1;
	s7 =	smax.u32 s26, $0x1;
	s26 =	simm.s32 $0x3900;
	s1 =	simm.s32 $0x6900  }
.LBB2_1:
0x13: {  	s20 =	rddreg [dreg:$0x4];
	s0 =	simm.s32 $0x3  }
0x14: {  	[tilespmem:s3], [sflag:$0x3] =	stream.linear.gather [hbm4b:s20+s3], $0x100, $0x38;
	[tilespmem:$0x10100] =	vst v63  }
0x15: {  	_ =	swait.ge [sflag:s0], $0x100  }
0x16: {  	[sflag:s0] =	ssyncset.done $0x0  }
0x17: {  	s20 =	rddreg [dreg:$0x5];
	[sflag:s0] =	ssyncadd.s32 $0xFFFFFF00  }
0x18: {  	[tilespmem:s18], [sflag:$0x3] =	stream.linear.gather [hbm4b:s20+s3], $0x10000, $0x38;
	[tilespmem:$0x10100] =	vst v63  }
0x19: {  	_ =	swait.ge [sflag:s0], $0x10000  }
0x1a: {  	[sflag:s0] =	ssyncset.done $0x0  }
0x1b: {  	[sflag:s0] =	ssyncadd.s32 $0xFFFF0000  }
0x1c: {  	v3 =	vld [tilespmem:$0x0];
	_ =	sdelay $0x4  }
0x1d: {  	v4 =	vshll.u32 v3, $0x3  }
0x1e: {  	v3 =	vand.u32 $0x7, v3;
	v4 =	vand.u32 $0xFFFFFFC0, v4  }
0x1f: {  	v3 =	vor.u32 v3, v4  }
0x20: {  	v4 =	vperm.xlane v3, v0;
	_ =	sdelay $0x1  }
0x21: {  	v4 =	vadd.s32 v1, v4;
	_ =	sdelay $0x4  }
0x22: {  	[hbm4b:s2+s3] =	stream.indirect_vreg.scatter [tilespmem:s18], [sflag:$0x1], $0x80, v4, vm0, $0xb8;
	[tilespmem:$0x10100] =	vst v63  }
0x23: {  	s20 =	simm.s32 $0x900;
	v3 =	vperm.xlane v3, v2  }
0x24: {  	[hbm4b:s4+s3] =	stream.indirect_vreg.scatter [tilespmem:s20], [sflag:$0x1], $0x80, v4, vm0, $0xb8;
	[tilespmem:$0x10100] =	vst v63  }
0x25: {  	v3 =	vadd.s32 v1, v3  }
0x26: {  	[hbm4b:s5+s3] =	stream.indirect_vreg.scatter [tilespmem:s21], [sflag:$0x1], $0x80, v4, vm0, $0xb8;
	[tilespmem:$0x10100] =	vst v63  }
0x27: {  	_ = 	snop  }
0x28: {  	[hbm4b:s6+s3] =	stream.indirect_vreg.scatter [tilespmem:s22], [sflag:$0x1], $0x80, v4, vm0, $0xb8;
	[tilespmem:$0x10100] =	vst v63  }
0x29: {  	_ = 	snop  }
0x2a: {  	[hbm4b:s2+s3] =	stream.indirect_vreg.scatter [tilespmem:s23], [sflag:$0x1], $0x80, v3, vm0, $0xb8;
	[tilespmem:$0x10100] =	vst v63  }
0x2b: {  	_ = 	snop  }
0x2c: {  	[hbm4b:s4+s3] =	stream.indirect_vreg.scatter [tilespmem:s24], [sflag:$0x1], $0x80, v3, vm0, $0xb8;
	[tilespmem:$0x10100] =	vst v63  }
0x2d: {  	_ = 	snop  }
0x2e: {  	[hbm4b:s5+s3] =	stream.indirect_vreg.scatter [tilespmem:s25], [sflag:$0x1], $0x80, v3, vm0, $0xb8;
	[tilespmem:$0x10100] =	vst v63  }
0x2f: {  	_ = 	snop  }
0x30: {  	[hbm4b:s6+s3] =	stream.indirect_vreg.scatter [tilespmem:s26], [sflag:$0x1], $0x80, v3, vm0, $0xb8;
	[tilespmem:$0x10100] =	vst v63  }
0x31: {  	v3 =	vld [tilespmem:$0x10];
	_ =	sdelay $0x4  }
0x32: {  	v57 =	vshll.u32 v3, $0x3  }
0x33: {  	v3 =	vand.u32 $0x7, v3;
	v4 =	vand.u32 $0xFFFFFFC0, v57  }
0x34: {  	v3 =	vor.u32 v3, v4  }
0x35: {  	v4 =	vperm.xlane v3, v0;
	_ =	sdelay $0x1  }
0x36: {  	v4 =	vadd.s32 v1, v4;
	_ =	sdelay $0x4  }
0x37: {  	[hbm4b:s2+s3] =	stream.indirect_vreg.scatter [tilespmem:s28], [sflag:$0x1], $0x80, v4, vm0, $0xb8;
	[tilespmem:$0x10100] =	vst v63  }
0x38: {  	v3 =	vperm.xlane v3, v2  }
0x39: {  	[hbm4b:s4+s3] =	stream.indirect_vreg.scatter [tilespmem:s29], [sflag:$0x1], $0x80, v4, vm0, $0xb8;
	[tilespmem:$0x10100] =	vst v63  }
0x3a: {  	v3 =	vadd.s32 v1, v3  }
0x3b: {  	[hbm4b:s5+s3] =	stream.indirect_vreg.scatter [tilespmem:s30], [sflag:$0x1], $0x80, v4, vm0, $0xb8;
	[tilespmem:$0x10100] =	vst v63  }
0x3c: {  	_ = 	snop  }
0x3d: {  	[hbm4b:s6+s3] =	stream.indirect_vreg.scatter [tilespmem:s31], [sflag:$0x1], $0x80, v4, vm0, $0xb8;
	[tilespmem:$0x10100] =	vst v63  }
0x3e: {  	s0 =	simm.s32 $0x6100  }
0x3f: {  	[hbm4b:s2+s3] =	stream.indirect_vreg.scatter [tilespmem:s0], [sflag:$0x1], $0x80, v3, vm0, $0xb8;
	[tilespmem:$0x10100] =	vst v63  }
0x40: {  	_ = 	snop  }
0x41: {  	[hbm4b:s4+s3] =	stream.indirect_vreg.scatter [tilespmem:s1], [sflag:$0x1], $0x80, v3, vm0, $0xb8;
	[tilespmem:$0x10100] =	vst v63  }
0x42: {  	_ = 	snop  }
0x43: {  	[hbm4b:s5+s3] =	stream.indirect_vreg.scatter [tilespmem:s10], [sflag:$0x1], $0x80, v3, vm0, $0xb8;
	[tilespmem:$0x10100] =	vst v63  }
0x44: {  	_ = 	snop  }
0x45: {  	[hbm4b:s6+s3] =	stream.indirect_vreg.scatter [tilespmem:s11], [sflag:$0x1], $0x80, v3, vm0, $0xb8;
	[tilespmem:$0x10100] =	vst v63  }
0x46: {  	v3 =	vld [tilespmem:$0x20];
	_ =	sdelay $0x4  }
0x47: {  	v58 =	vshll.u32 v3, $0x3  }
0x48: {  	v3 =	vand.u32 $0x7, v3;
	v4 =	vand.u32 $0xFFFFFFC0, v58  }
0x49: {  	v3 =	vor.u32 v3, v4  }
0x4a: {  	v4 =	vperm.xlane v3, v0;
	_ =	sdelay $0x1  }
0x4b: {  	v4 =	vadd.s32 v1, v4;
	_ =	sdelay $0x4  }
0x4c: {  	[hbm4b:s2+s3] =	stream.indirect_vreg.scatter [tilespmem:s12], [sflag:$0x1], $0x80, v4, vm0, $0xb8;
	[tilespmem:$0x10100] =	vst v63  }
0x4d: {  	v3 =	vperm.xlane v3, v2  }
0x4e: {  	[hbm4b:s4+s3] =	stream.indirect_vreg.scatter [tilespmem:s13], [sflag:$0x1], $0x80, v4, vm0, $0xb8;
	[tilespmem:$0x10100] =	vst v63  }
0x4f: {  	v3 =	vadd.s32 v1, v3  }
0x50: {  	[hbm4b:s5+s3] =	stream.indirect_vreg.scatter [tilespmem:s14], [sflag:$0x1], $0x80, v4, vm0, $0xb8;
	[tilespmem:$0x10100] =	vst v63  }
0x51: {  	_ = 	snop  }
0x52: {  	[hbm4b:s6+s3] =	stream.indirect_vreg.scatter [tilespmem:s15], [sflag:$0x1], $0x80, v4, vm0, $0xb8;
	[tilespmem:$0x10100] =	vst v63  }
0x53: {  	_ = 	snop  }
0x54: {  	[hbm4b:s2+s3] =	stream.indirect_vreg.scatter [tilespmem:s16], [sflag:$0x1], $0x80, v3, vm0, $0xb8;
	[tilespmem:$0x10100] =	vst v63  }
0x55: {  	_ = 	snop  }
0x56: {  	[hbm4b:s4+s3] =	stream.indirect_vreg.scatter [tilespmem:s17], [sflag:$0x1], $0x80, v3, vm0, $0xb8;
	[tilespmem:$0x10100] =	vst v63  }
0x57: {  	_ = 	snop  }
0x58: {  	[hbm4b:s5+s3] =	stream.indirect_vreg.scatter [tilespmem:s9], [sflag:$0x1], $0x80, v3, vm0, $0xb8;
	[tilespmem:$0x10100] =	vst v63  }
0x59: {  	_ = 	snop  }
0x5a: {  	[hbm4b:s6+s3] =	stream.indirect_vreg.scatter [tilespmem:s19], [sflag:$0x1], $0x80, v3, vm0, $0xb8;
	[tilespmem:$0x10100] =	vst v63  }
0x5b: {  	v3 =	vld [tilespmem:$0x30];
	_ =	sdelay $0x4  }
0x5c: {  	v59 =	vshll.u32 v3, $0x3  }
0x5d: {  	v3 =	vand.u32 $0x7, v3;
	v4 =	vand.u32 $0xFFFFFFC0, v59  }
0x5e: {  	v3 =	vor.u32 v3, v4  }
0x5f: {  	v4 =	vperm.xlane v3, v0;
	_ =	sdelay $0x1  }
0x60: {  	v4 =	vadd.s32 v1, v4;
	_ =	sdelay $0x4  }
0x61: {  	[hbm4b:s2+s3] =	stream.indirect_vreg.scatter [tilespmem:s8], [sflag:$0x1], $0x80, v4, vm0, $0xb8;
	[tilespmem:$0x10100] =	vst v63  }
0x62: {  	s0 =	simm.s32 $0xC900;
	v3 =	vperm.xlane v3, v2  }
0x63: {  	[hbm4b:s4+s3] =	stream.indirect_vreg.scatter [tilespmem:s0], [sflag:$0x1], $0x80, v4, vm0, $0xb8;
	[tilespmem:$0x10100] =	vst v63  }
0x64: {  	v3 =	vadd.s32 v1, v3;
	s0 =	simm.s32 $0xD100  }
0x65: {  	[hbm4b:s5+s3] =	stream.indirect_vreg.scatter [tilespmem:s0], [sflag:$0x1], $0x80, v4, vm0, $0xb8;
	[tilespmem:$0x10100] =	vst v63  }
0x66: {  	s0 =	simm.s32 $0xD900  }
0x67: {  	[hbm4b:s6+s3] =	stream.indirect_vreg.scatter [tilespmem:s0], [sflag:$0x1], $0x80, v4, vm0, $0xb8;
	[tilespmem:$0x10100] =	vst v63  }
0x68: {  	s0 =	simm.s32 $0xE100  }
0x69: {  	[hbm4b:s2+s3] =	stream.indirect_vreg.scatter [tilespmem:s0], [sflag:$0x1], $0x80, v3, vm0, $0xb8;
	[tilespmem:$0x10100] =	vst v63  }
0x6a: {  	s0 =	simm.s32 $0xE900  }
0x6b: {  	[hbm4b:s4+s3] =	stream.indirect_vreg.scatter [tilespmem:s0], [sflag:$0x1], $0x80, v3, vm0, $0xb8;
	[tilespmem:$0x10100] =	vst v63  }
0x6c: {  	s0 =	simm.s32 $0xF100  }
0x6d: {  	[hbm4b:s5+s3] =	stream.indirect_vreg.scatter [tilespmem:s0], [sflag:$0x1], $0x80, v3, vm0, $0xb8;
	[tilespmem:$0x10100] =	vst v63  }
0x6e: {  	s0 =	simm.s32 $0xF900  }
0x6f: {  	[hbm4b:s6+s3] =	stream.indirect_vreg.scatter [tilespmem:s0], [sflag:$0x1], $0x80, v3, vm0, $0xb8;
	[tilespmem:$0x10100] =	vst v63  }
0x70: {  	v3 =	vld [tilespmem:$0x80];
	_ =	sdelay $0x4  }
0x71: {  	v60 =	vshll.u32 v3, $0x3  }
0x72: {  	v3 =	vand.u32 $0x7, v3;
	v4 =	vand.u32 $0xFFFFFFC0, v60  }
0x73: {  	v3 =	vor.u32 v3, v4  }
0x74: {  	v4 =	vperm.xlane v3, v0;
	_ =	sdelay $0x1  }
0x75: {  	v4 =	vadd.s32 v1, v4;
	_ =	sdelay $0x4  }
0x76: {  	[hbm4b:s2+s3] =	stream.indirect_vreg.scatter [tilespmem:s18], [sflag:$0x2], $0x80, v4, vm0, $0xb8;
	[tilespmem:$0x10100] =	vst v63  }
0x77: {  	v3 =	vperm.xlane v3, v2  }
0x78: {  	[hbm4b:s4+s3] =	stream.indirect_vreg.scatter [tilespmem:s20], [sflag:$0x2], $0x80, v4, vm0, $0xb8;
	[tilespmem:$0x10100] =	vst v63  }
0x79: {  	v3 =	vadd.s32 v1, v3  }
0x7a: {  	[hbm4b:s5+s3] =	stream.indirect_vreg.scatter [tilespmem:s21], [sflag:$0x2], $0x80, v4, vm0, $0xb8;
	[tilespmem:$0x10100] =	vst v63  }
0x7b: {  	_ = 	snop  }
0x7c: {  	[hbm4b:s6+s3] =	stream.indirect_vreg.scatter [tilespmem:s22], [sflag:$0x2], $0x80, v4, vm0, $0xb8;
	[tilespmem:$0x10100] =	vst v63  }
0x7d: {  	_ = 	snop  }
0x7e: {  	[hbm4b:s2+s3] =	stream.indirect_vreg.scatter [tilespmem:s23], [sflag:$0x2], $0x80, v3, vm0, $0xb8;
	[tilespmem:$0x10100] =	vst v63  }
0x7f: {  	_ = 	snop  }
0x80: {  	[hbm4b:s4+s3] =	stream.indirect_vreg.scatter [tilespmem:s24], [sflag:$0x2], $0x80, v3, vm0, $0xb8;
	[tilespmem:$0x10100] =	vst v63  }
0x81: {  	_ = 	snop  }
0x82: {  	[hbm4b:s5+s3] =	stream.indirect_vreg.scatter [tilespmem:s25], [sflag:$0x2], $0x80, v3, vm0, $0xb8;
	[tilespmem:$0x10100] =	vst v63  }
0x83: {  	_ = 	snop  }
0x84: {  	[hbm4b:s6+s3] =	stream.indirect_vreg.scatter [tilespmem:s26], [sflag:$0x2], $0x80, v3, vm0, $0xb8;
	[tilespmem:$0x10100] =	vst v63  }
0x85: {  	v3 =	vld [tilespmem:$0x90];
	_ =	sdelay $0x4  }
0x86: {  	v61 =	vshll.u32 v3, $0x3  }
0x87: {  	v3 =	vand.u32 $0x7, v3;
	v4 =	vand.u32 $0xFFFFFFC0, v61  }
0x88: {  	v3 =	vor.u32 v3, v4  }
0x89: {  	v4 =	vperm.xlane v3, v0;
	_ =	sdelay $0x1  }
0x8a: {  	v4 =	vadd.s32 v1, v4;
	_ =	sdelay $0x4  }
0x8b: {  	[hbm4b:s2+s3] =	stream.indirect_vreg.scatter [tilespmem:s28], [sflag:$0x2], $0x80, v4, vm0, $0xb8;
	[tilespmem:$0x10100] =	vst v63  }
0x8c: {  	v3 =	vperm.xlane v3, v2  }
0x8d: {  	[hbm4b:s4+s3] =	stream.indirect_vreg.scatter [tilespmem:s29], [sflag:$0x2], $0x80, v4, vm0, $0xb8;
	[tilespmem:$0x10100] =	vst v63  }
0x8e: {  	v3 =	vadd.s32 v1, v3  }
0x8f: {  	[hbm4b:s5+s3] =	stream.indirect_vreg.scatter [tilespmem:s30], [sflag:$0x2], $0x80, v4, vm0, $0xb8;
	[tilespmem:$0x10100] =	vst v63  }
0x90: {  	_ = 	snop  }
0x91: {  	[hbm4b:s6+s3] =	stream.indirect_vreg.scatter [tilespmem:s31], [sflag:$0x2], $0x80, v4, vm0, $0xb8;
	[tilespmem:$0x10100] =	vst v63  }
0x92: {  	s20 =	simm.s32 $0x6100  }
0x93: {  	[hbm4b:s2+s3] =	stream.indirect_vreg.scatter [tilespmem:s20], [sflag:$0x2], $0x80, v3, vm0, $0xb8;
	[tilespmem:$0x10100] =	vst v63  }
0x94: {  	_ = 	snop  }
0x95: {  	[hbm4b:s4+s3] =	stream.indirect_vreg.scatter [tilespmem:s1], [sflag:$0x2], $0x80, v3, vm0, $0xb8;
	[tilespmem:$0x10100] =	vst v63  }
0x96: {  	_ = 	snop  }
0x97: {  	[hbm4b:s5+s3] =	stream.indirect_vreg.scatter [tilespmem:s10], [sflag:$0x2], $0x80, v3, vm0, $0xb8;
	[tilespmem:$0x10100] =	vst v63  }
0x98: {  	_ = 	snop  }
0x99: {  	[hbm4b:s6+s3] =	stream.indirect_vreg.scatter [tilespmem:s11], [sflag:$0x2], $0x80, v3, vm0, $0xb8;
	[tilespmem:$0x10100] =	vst v63  }
0x9a: {  	v3 =	vld [tilespmem:$0xA0];
	_ =	sdelay $0x4  }
0x9b: {  	v62 =	vshll.u32 v3, $0x3  }
0x9c: {  	v3 =	vand.u32 $0x7, v3;
	v4 =	vand.u32 $0xFFFFFFC0, v62  }
0x9d: {  	v3 =	vor.u32 v3, v4  }
0x9e: {  	v4 =	vperm.xlane v3, v0;
	_ =	sdelay $0x1  }
0x9f: {  	v4 =	vadd.s32 v1, v4;
	_ =	sdelay $0x4  }
0xa0: {  	[hbm4b:s2+s3] =	stream.indirect_vreg.scatter [tilespmem:s12], [sflag:$0x2], $0x80, v4, vm0, $0xb8;
	[tilespmem:$0x10100] =	vst v63  }
0xa1: {  	v3 =	vperm.xlane v3, v2  }
0xa2: {  	[hbm4b:s4+s3] =	stream.indirect_vreg.scatter [tilespmem:s13], [sflag:$0x2], $0x80, v4, vm0, $0xb8;
	[tilespmem:$0x10100] =	vst v63  }
0xa3: {  	v3 =	vadd.s32 v1, v3  }
0xa4: {  	[hbm4b:s5+s3] =	stream.indirect_vreg.scatter [tilespmem:s14], [sflag:$0x2], $0x80, v4, vm0, $0xb8;
	[tilespmem:$0x10100] =	vst v63  }
0xa5: {  	_ = 	snop  }
0xa6: {  	[hbm4b:s6+s3] =	stream.indirect_vreg.scatter [tilespmem:s15], [sflag:$0x2], $0x80, v4, vm0, $0xb8;
	[tilespmem:$0x10100] =	vst v63  }
0xa7: {  	_ = 	snop  }
0xa8: {  	[hbm4b:s2+s3] =	stream.indirect_vreg.scatter [tilespmem:s16], [sflag:$0x2], $0x80, v3, vm0, $0xb8;
	[tilespmem:$0x10100] =	vst v63  }
0xa9: {  	_ = 	snop  }
0xaa: {  	[hbm4b:s4+s3] =	stream.indirect_vreg.scatter [tilespmem:s17], [sflag:$0x2], $0x80, v3, vm0, $0xb8;
	[tilespmem:$0x10100] =	vst v63  }
0xab: {  	_ = 	snop  }
0xac: {  	[hbm4b:s5+s3] =	stream.indirect_vreg.scatter [tilespmem:s9], [sflag:$0x2], $0x80, v3, vm0, $0xb8;
	[tilespmem:$0x10100] =	vst v63  }
0xad: {  	_ = 	snop  }
0xae: {  	[hbm4b:s6+s3] =	stream.indirect_vreg.scatter [tilespmem:s19], [sflag:$0x2], $0x80, v3, vm0, $0xb8;
	[tilespmem:$0x10100] =	vst v63  }
0xaf: {  	v3 =	vld [tilespmem:$0xB0];
	_ =	sdelay $0x4  }
0xb0: {  	v63 =	vshll.u32 v3, $0x3  }
0xb1: {  	v3 =	vand.u32 $0x7, v3;
	v4 =	vand.u32 $0xFFFFFFC0, v63  }
0xb2: {  	v3 =	vor.u32 v3, v4  }
0xb3: {  	v4 =	vperm.xlane v3, v0;
	_ =	sdelay $0x1  }
0xb4: {  	v4 =	vadd.s32 v1, v4;
	_ =	sdelay $0x4  }
0xb5: {  	[hbm4b:s2+s3] =	stream.indirect_vreg.scatter [tilespmem:s8], [sflag:$0x2], $0x80, v4, vm0, $0xb8;
	[tilespmem:$0x10100] =	vst v63  }
0xb6: {  	s20 =	simm.s32 $0xC900;
	v3 =	vperm.xlane v3, v2  }
0xb7: {  	[hbm4b:s4+s3] =	stream.indirect_vreg.scatter [tilespmem:s20], [sflag:$0x2], $0x80, v4, vm0, $0xb8;
	[tilespmem:$0x10100] =	vst v63  }
0xb8: {  	v3 =	vadd.s32 v1, v3;
	s20 =	simm.s32 $0xD100  }
0xb9: {  	[hbm4b:s5+s3] =	stream.indirect_vreg.scatter [tilespmem:s20], [sflag:$0x2], $0x80, v4, vm0, $0xb8;
	[tilespmem:$0x10100] =	vst v63  }
0xba: {  	s20 =	simm.s32 $0xD900  }
0xbb: {  	[hbm4b:s6+s3] =	stream.indirect_vreg.scatter [tilespmem:s20], [sflag:$0x2], $0x80, v4, vm0, $0xb8;
	[tilespmem:$0x10100] =	vst v63  }
0xbc: {  	s20 =	simm.s32 $0xE100  }
0xbd: {  	[hbm4b:s2+s3] =	stream.indirect_vreg.scatter [tilespmem:s20], [sflag:$0x2], $0x80, v3, vm0, $0xb8;
	[tilespmem:$0x10100] =	vst v63  }
0xbe: {  	s20 =	simm.s32 $0xE900  }
0xbf: {  	[hbm4b:s4+s3] =	stream.indirect_vreg.scatter [tilespmem:s20], [sflag:$0x2], $0x80, v3, vm0, $0xb8;
	[tilespmem:$0x10100] =	vst v63  }
0xc0: {  	s20 =	simm.s32 $0xF100  }
0xc1: {  	[hbm4b:s5+s3] =	stream.indirect_vreg.scatter [tilespmem:s20], [sflag:$0x2], $0x80, v3, vm0, $0xb8;
	[tilespmem:$0x10100] =	vst v63  }
0xc2: {  	s20 =	simm.s32 $0xF900  }
0xc3: {  	[hbm4b:s6+s3] =	stream.indirect_vreg.scatter [tilespmem:s20], [sflag:$0x2], $0x80, v3, vm0, $0xb8;
	[tilespmem:$0x10100] =	vst v63  }
0xc4: {  	s20 =	simm.s32 $0x1  }
0xc5: {  	p0 =	sne.s32 s7, $0x1;
	_ =	swait.ge [sflag:s20], $0x10000  }
.Ltmp0:
0xc6: {  	[sflag:s20] =	ssyncset.done $0x0;
	(pc) =	sbr.rel @p0 .LBB2_1-.Ltmp0, $4  }
0xc7: {  	[sflag:s20] =	ssyncadd.s32 $0xFFFF0000;
	s20 =	simm.s32 $0x2  }
0xc8: {  	_ =	swait.ge [sflag:s20], $0x10000  }
0xc9: {  	[sflag:s20] =	ssyncset.done $0x0  }
0xca: {  	s7 =	sadd.s32 $0xFFFFFFFF, s7;
	[sflag:s20] =	ssyncadd.s32 $0xFFFF0000  }
0xcb: {  	_ =	sfence.sel $0x180000  }
0xcc: {  	[bflag:$0x0] =	sbarrier.arrive $0xFFFF  }
0xcd: {  	_ =	strace $0x90000047  }
0xce: {  	s0 =	stileid.u32;
	[bflag:$0x2] =	sbarrier.arrive $0xFFFF  }
0xcf: {  	p0 =	sne.s32 s0, $0x0;
	s0 =	rddreg [dreg:$0x3]  }
0xd0: {  	s0 =	sadd.s32 @!p0 $0x100000, s0  }
0xd1: {  	[sflag:s0] =	ssyncadd.tile.s32 @!p0 $0x1;
	_ =	shalt  }
.Lfunc_end2:
_tile_overlayer_lowered:
.L_overlay_start_2:
0xd2: {  	(tag) =	ssettag $0x2  }
0xd3: {  	s0 =	rddreg [dreg:$0x0];
	s2 =	stileid.u32  }
0xd4: {  	s1 =	rddreg [dreg:$0x1];
	p0 =	sne.s32 s2, $0x0  }
0xd5: {  	s3 =	rddreg [dreg:$0x2];
	[bflag:$0x3] =	sbarrier.arrive $0xFFFF;
	s2 =	simm.s32 @!p0 $0x1C03  }
0xd6: {  	[timem:s3], [sflag:s2] =	dma.local @!p0 [hbm:s0], s1  }
0xd7: {  	s0 =	simm.s32 @!p0 $0x3  }
0xd8: {  	_ =	swait.ge @!p0 [sflag:s0], s1  }
0xd9: {  	s1 =	ssub.s32 @!p0 $0x0, s1;
	[sflag:s0] =	ssyncset.done @!p0 $0x0  }
0xda: {  	[sflag:s0] =	ssyncadd.s32 @!p0 s1  }
0xdb: {  	[bflag:$0x3] =	sbarrier.arrive $0xFFFF  }
0xdc: {  	_ =	shalt  }

</sc_bundles>
